<compile_context>
chip_gen: v7x
topology: tpu7x:2x2x1
jax: 0.10.2.dev20260603
libtpu: 0.0.44.dev20260713+nightly
codegen_flags: <defaults>
</compile_context>

<pallas_src>
import functools

import jax
import jax.numpy as jnp
from jax.experimental import pallas as pl
from jax.experimental.pallas import tpu as pltpu

_NX, _NY, _NZ = 128, 128, 16
_E = 128
_C = 256
_N_VOX = _NX * _NY * _NZ
_N_CAM = 6
_H, _W = 32, 88
_VB = 8192
_NBLK = _N_VOX // _VB


def _prep_kernel(feats_ref, wq_ref, wv_ref, b_ref, a_ref, acc_ref):
    i = pl.program_id(0)

    @pl.when(i == 0)
    def _():
        acc_ref[...] = jnp.zeros_like(acc_ref)

    s = jnp.sum(feats_ref[0, 0], axis=(0, 1))
    acc_ref[...] += s.reshape(1, _C)

    @pl.when(i == _N_CAM - 1)
    def _():
        ctx = acc_ref[...] * (1.0 / (_N_CAM * _H * _W))
        d = jax.lax.dot_general(
            ctx, wv_ref[...], (((1,), (0,)), ((), ())),
            preferred_element_type=jnp.float32,
        )
        wq = wq_ref[...]
        a_ref[0:1, :] = 0.4 * wq[0:1, :]
        a_ref[1:2, :] = 0.4 * wq[1:2, :]
        a_ref[2:3, :] = 0.4 * wq[2:3, :]
        a_ref[3:4, :] = (d + b_ref[...]
                         - 25.6 * (wq[0:1, :] + wq[1:2, :])
                         - 3.2 * wq[2:3, :])
        a_ref[4:8, :] = jnp.zeros((4, _E), jnp.float32)


def _fill_kernel(a_ref, prop_ref, out_ref):
    i = pl.program_id(0)
    v = jax.lax.broadcasted_iota(jnp.int32, (1, _VB), 1) + i * _VB
    m = (prop_ref[0] > 0).astype(jnp.float32)
    xm = (v >> 11).astype(jnp.float32) * m
    ym = ((v >> 4) & 127).astype(jnp.float32) * m
    zm = (v & 15).astype(jnp.float32) * m
    p = jnp.concatenate(
        [xm, ym, zm, m, jnp.zeros((4, _VB), jnp.float32)], axis=0)
    out_ref[...] = jax.lax.dot_general(
        p, a_ref[...], (((0,), (0,)), ((), ())),
        preferred_element_type=jnp.float32,
    )


@functools.partial(jax.jit, static_argnames=())
def kernel(mlvl_feats_0, proposal, W_q, W_v, b):
    feats_t = jnp.transpose(mlvl_feats_0, (0, 1, 3, 4, 2))
    coefA = pl.pallas_call(
        _prep_kernel,
        grid=(_N_CAM,),
        in_specs=[
            pl.BlockSpec((1, 1, _H, _W, _C), lambda i: (0, i, 0, 0, 0)),
            pl.BlockSpec((3, _E), lambda i: (0, 0)),
            pl.BlockSpec((_C, _E), lambda i: (0, 0)),
            pl.BlockSpec((1, _E), lambda i: (0, 0)),
        ],
        out_specs=pl.BlockSpec((8, _E), lambda i: (0, 0)),
        out_shape=jax.ShapeDtypeStruct((8, _E), jnp.float32),
        scratch_shapes=[pltpu.VMEM((1, _C), jnp.float32)],
    )(feats_t, W_q, W_v, b.reshape(1, _E))

    prop3d = proposal.reshape(_NBLK, 1, _VB)
    vol = pl.pallas_call(
        _fill_kernel,
        grid=(_NBLK,),
        in_specs=[
            pl.BlockSpec((8, _E), lambda i: (0, 0)),
            pl.BlockSpec((1, 1, _VB), lambda i: (i, 0, 0)),
        ],
        out_specs=pl.BlockSpec((_VB, _E), lambda i: (i, 0)),
        out_shape=jax.ShapeDtypeStruct((_N_VOX, _E), jnp.float32),
    )(coefA, prop3d)
    vol = vol.reshape(_NX, _NY, _NZ, _E)
    return jnp.transpose(vol, (3, 0, 1, 2))[None]

# --- scband reference (transcript-rebuilt; emitter-appended) ---
"""Pipeline reference for scband-dense-head-32160715112617 (READ-ONLY COPY).

The authoritative reference and input builder live on the scoring server;
editing this copy changes nothing except your own understanding.
"""

import jax, jax.numpy as jnp
import numpy as np

VOXEL_SIZE = jnp.array([0.4, 0.4, 0.4], dtype=jnp.float32)
N_VOXELS = (128, 128, 16)
EMBED_DIMS = 128
C_IMG = 256


def get_voxel_indices():
    nx, ny, nz = N_VOXELS
    xv, yv, zv = jnp.meshgrid(jnp.arange(nx), jnp.arange(ny), jnp.arange(nz), indexing='ij')
    idx = jnp.arange(nx * ny * nz)
    vox_coords = jnp.concatenate([xv.reshape(-1, 1), yv.reshape(-1, 1), zv.reshape(-1, 1), idx.reshape(-1, 1)], axis=-1)
    points = jnp.stack(jnp.meshgrid(jnp.arange(nx), jnp.arange(ny), jnp.arange(nz), indexing='ij')).astype(jnp.float32)
    new_origin = -jnp.array(N_VOXELS, jnp.float32) / 2.0 * VOXEL_SIZE
    points = points * VOXEL_SIZE.reshape(3, 1, 1, 1) + new_origin.reshape(3, 1, 1, 1)
    points = points.reshape(3, -1).T
    return vox_coords, points


def setup_inputs(seed: int = 0) -> dict:
    key = jax.random.key(seed)
    k1, k2, k3, k4, k5 = jax.random.split(key, 5)
    n_vox = N_VOXELS[0] * N_VOXELS[1] * N_VOXELS[2]
    mlvl_feats_0 = jax.random.normal(k1, (1, 6, C_IMG, 32, 88), dtype=jnp.float32)
    proposal = jax.random.randint(k2, (n_vox,), 0, 2)
    W_q = jax.random.normal(k3, (3, EMBED_DIMS), dtype=jnp.float32) * 0.02
    W_v = jax.random.normal(k4, (C_IMG, EMBED_DIMS), dtype=jnp.float32) * 0.02
    b = jax.random.normal(k5, (EMBED_DIMS,), dtype=jnp.float32) * 0.02
    return {"mlvl_feats_0": mlvl_feats_0, "proposal": proposal, "W_q": W_q, "W_v": W_v, "b": b}


def reference(mlvl_feats_0, proposal, W_q, W_v, b):
    nx, ny, nz = N_VOXELS
    n_vox = nx * ny * nz
    vox_coords, ref_3d = get_voxel_indices()
    # volume queries initialized to zeros, as in the torch module
    volume_queries = jnp.zeros((n_vox, EMBED_DIMS), dtype=jnp.float32)
    mask = proposal > 0
    # cross_transformer.get_vox_features stand-in: queries from 3D reference points
    # attend to a pooled image context (single linear cross-attention step)
    ctx = jnp.mean(mlvl_feats_0, axis=(0, 1, 3, 4))  # [C_IMG]
    q = volume_queries + ref_3d @ W_q
    seed_feats = q + ctx @ W_v + b  # [n_vox, EMBED_DIMS]
    # scatter-overwrite seed features into the dense volume memory
    volume_out = jnp.where(mask[:, None], seed_feats, jnp.zeros((n_vox, EMBED_DIMS), dtype=jnp.float32))
    volume_out = volume_out.reshape(nx, ny, nz, EMBED_DIMS)
    volume_out = jnp.transpose(volume_out, (3, 0, 1, 2))[None]
    return volume_out

if __name__ == "__main__":
    import jax
    _d = setup_inputs()
    print(jax.jit(kernel)(*tuple(_d.values())))

</pallas_src>

<mosaic_0001>
module attributes {stable_mosaic.version = 14 : i64} {
  func.func @_prep_kernel(%arg0: i32, %arg1: memref<1x1x32x88x256xf32, #tpu.memory_space<vmem>>, %arg2: memref<3x128xf32, #tpu.memory_space<vmem>>, %arg3: memref<256x128xf32, #tpu.memory_space<vmem>>, %arg4: memref<1x128xf32, #tpu.memory_space<vmem>>, %arg5: memref<8x128xf32, #tpu.memory_space<vmem>>, %arg6: memref<1x256xf32, #tpu.memory_space<vmem>>) attributes {dimension_semantics = [#tpu.dimension_semantics<arbitrary>], iteration_bounds = array<i64: 6>, scalar_prefetch = 0 : i64, scratch_operands = 1 : i64, tpu.core_type = #tpu.core_type<tc>, window_params = [{transform_indices = @transform_0, window_bounds = array<i64: 1, 1, 32, 88, 256>}, {pipeline_mode = #tpu.pipeline_mode<synchronous>, transform_indices = @transform_1, window_bounds = array<i64: 3, 128>}, {pipeline_mode = #tpu.pipeline_mode<synchronous>, transform_indices = @transform_2, window_bounds = array<i64: 256, 128>}, {pipeline_mode = #tpu.pipeline_mode<synchronous>, transform_indices = @transform_3, window_bounds = array<i64: 1, 128>}, {pipeline_mode = #tpu.pipeline_mode<synchronous>, transform_indices = @transform_4, window_bounds = array<i64: 8, 128>}]} {
    %eq3A = arith.constant 0 : i32
    %eq3A_0 = arith.cmpi eq, %arg0, %eq3A : i32
    %convert_element_type3A = arith.extui %eq3A_0 : i1 to i32
    %cond3A = arith.constant 0 : i32
    %cond3A_1 = arith.cmpi ne, %convert_element_type3A, %cond3A : i32
    scf.if %cond3A_1 {
      %broadcast_in_dim3A = arith.constant 0.000000e+00 : f32
      %broadcast_in_dim3A_19 = vector.broadcast %broadcast_in_dim3A : f32 to vector<1x256xf32>
      %swap3A_20 = arith.constant 0 : index
      %swap3A_21 = arith.constant 0 : index
      %swap3A_22 = vector.load %arg6[%swap3A_20, %swap3A_21] : memref<1x256xf32, #tpu.memory_space<vmem>>, vector<1x256xf32>
      tpu.vector_store %arg6[%swap3A_20, %swap3A_21], %broadcast_in_dim3A_19 {strides = array<i32>} : memref<1x256xf32, #tpu.memory_space<vmem>>, vector<1x256xf32>,
    } else {
    }
    %get3A = arith.constant 0 : index
    %get3A_2 = arith.constant 0 : index
    %get3A_3 = arith.constant 0 : index
    %get3A_4 = arith.constant 0 : index
    %get3A_5 = arith.constant 0 : index
    %get3A_6 = vector.load %arg1[%get3A, %get3A_2, %get3A_3, %get3A_4, %get3A_5] : memref<1x1x32x88x256xf32, #tpu.memory_space<vmem>>, vector<1x1x32x88x256xf32>
    %get3A_7 = vector.shape_cast %get3A_6 : vector<1x1x32x88x256xf32> to vector<32x88x256xf32>
    %reduce_sum3A = arith.constant dense<0.000000e+00> : vector<256xf32>
    %reduce_sum3A_8 = vector.multi_reduction <add>, %get3A_7, %reduce_sum3A [0, 1] : vector<32x88x256xf32> to vector<256xf32>
    %get3A_9 = arith.constant 0 : index
    %get3A_10 = arith.constant 0 : index
    %get3A_11 = vector.load %arg6[%get3A_9, %get3A_10] : memref<1x256xf32, #tpu.memory_space<vmem>>, vector<1x256xf32>
    %reshape3A = vector.shape_cast %reduce_sum3A_8 : vector<256xf32> to vector<1x256xf32>
    %add3A = arith.addf %get3A_11, %reshape3A : vector<1x256xf32>
    %swap3A = arith.constant 0 : index
    %swap3A_12 = arith.constant 0 : index
    %swap3A_13 = vector.load %arg6[%swap3A, %swap3A_12] : memref<1x256xf32, #tpu.memory_space<vmem>>, vector<1x256xf32>
    tpu.vector_store %arg6[%swap3A, %swap3A_12], %add3A {strides = array<i32>} : memref<1x256xf32, #tpu.memory_space<vmem>>, vector<1x256xf32>,
    %eq3A_14 = arith.constant 5 : i32
    %eq3A_15 = arith.cmpi eq, %arg0, %eq3A_14 : i32
    %convert_element_type3A_16 = arith.extui %eq3A_15 : i1 to i32
    %cond3A_17 = arith.constant 0 : i32
    %cond3A_18 = arith.cmpi ne, %convert_element_type3A_16, %cond3A_17 : i32
    scf.if %cond3A_18 {
      %get3A_19 = arith.constant 0 : index
      %get3A_20 = arith.constant 0 : index
      %get3A_21 = vector.load %arg6[%get3A_19, %get3A_20] : memref<1x256xf32, #tpu.memory_space<vmem>>, vector<1x256xf32>
      %mul3A = arith.constant 5.91856078E-5 : f32
      %mul3A_22 = vector.broadcast %mul3A : f32 to vector<1x256xf32>
      %mul3A_23 = arith.mulf %get3A_21, %mul3A_22 : vector<1x256xf32>
      %get3A_24 = arith.constant 0 : index
      %get3A_25 = arith.constant 0 : index
      %get3A_26 = vector.load %arg3[%get3A_24, %get3A_25] : memref<256x128xf32, #tpu.memory_space<vmem>>, vector<256x128xf32>
      %dot_general3A = arith.constant dense<0.000000e+00> : vector<1x128xf32>
      %dot_general3A_27 = tpu.matmul %mul3A_23, %get3A_26, %dot_general3A {dimension_numbers = #tpu.dot_dimension_numbers<[1], [0], [0], [1], [0, 0, 1, 1], [], []>, transpose_lhs_hint = false} : vector<1x256xf32>, vector<256x128xf32>, vector<1x128xf32> -> vector<1x128xf32>
      %get3A_28 = arith.constant 0 : index
      %get3A_29 = arith.constant 0 : index
      %get3A_30 = vector.load %arg2[%get3A_28, %get3A_29] : memref<3x128xf32, #tpu.memory_space<vmem>>, vector<3x128xf32>
      %slice3A = vector.extract_strided_slice %get3A_30 {offsets = [0, 0], sizes = [1, 128], strides = [1, 1]} : vector<3x128xf32> to vector<1x128xf32>
      %mul3A_31 = arith.constant 4.000000e-01 : f32
      %mul3A_32 = vector.broadcast %mul3A_31 : f32 to vector<1x128xf32>
      %mul3A_33 = arith.mulf %mul3A_32, %slice3A : vector<1x128xf32>
      %swap3A_34 = arith.constant 0 : index
      %swap3A_35 = arith.constant 0 : index
      %swap3A_36 = vector.load %arg5[%swap3A_34, %swap3A_35] : memref<8x128xf32, #tpu.memory_space<vmem>>, vector<1x128xf32>
      tpu.vector_store %arg5[%swap3A_34, %swap3A_35], %mul3A_33 {strides = array<i32>} : memref<8x128xf32, #tpu.memory_space<vmem>>, vector<1x128xf32>,
      %slice3A_37 = vector.extract_strided_slice %get3A_30 {offsets = [1, 0], sizes = [1, 128], strides = [1, 1]} : vector<3x128xf32> to vector<1x128xf32>
      %mul3A_38 = arith.constant 4.000000e-01 : f32
      %mul3A_39 = vector.broadcast %mul3A_38 : f32 to vector<1x128xf32>
      %mul3A_40 = arith.mulf %mul3A_39, %slice3A_37 : vector<1x128xf32>
      %swap3A_41 = arith.constant 1 : index
      %swap3A_42 = arith.constant 0 : index
      %swap3A_43 = vector.load %arg5[%swap3A_41, %swap3A_42] : memref<8x128xf32, #tpu.memory_space<vmem>>, vector<1x128xf32>
      tpu.vector_store %arg5[%swap3A_41, %swap3A_42], %mul3A_40 {strides = array<i32>} : memref<8x128xf32, #tpu.memory_space<vmem>>, vector<1x128xf32>,
      %slice3A_44 = vector.extract_strided_slice %get3A_30 {offsets = [2, 0], sizes = [1, 128], strides = [1, 1]} : vector<3x128xf32> to vector<1x128xf32>
      %mul3A_45 = arith.constant 4.000000e-01 : f32
      %mul3A_46 = vector.broadcast %mul3A_45 : f32 to vector<1x128xf32>
      %mul3A_47 = arith.mulf %mul3A_46, %slice3A_44 : vector<1x128xf32>
      %swap3A_48 = arith.constant 2 : index
      %swap3A_49 = arith.constant 0 : index
      %swap3A_50 = vector.load %arg5[%swap3A_48, %swap3A_49] : memref<8x128xf32, #tpu.memory_space<vmem>>, vector<1x128xf32>
      tpu.vector_store %arg5[%swap3A_48, %swap3A_49], %mul3A_47 {strides = array<i32>} : memref<8x128xf32, #tpu.memory_space<vmem>>, vector<1x128xf32>,
      %get3A_51 = arith.constant 0 : index
      %get3A_52 = arith.constant 0 : index
      %get3A_53 = vector.load %arg4[%get3A_51, %get3A_52] : memref<1x128xf32, #tpu.memory_space<vmem>>, vector<1x128xf32>
      %add3A_54 = arith.addf %dot_general3A_27, %get3A_53 : vector<1x128xf32>
      %slice3A_55 = vector.extract_strided_slice %get3A_30 {offsets = [0, 0], sizes = [1, 128], strides = [1, 1]} : vector<3x128xf32> to vector<1x128xf32>
      %slice3A_56 = vector.extract_strided_slice %get3A_30 {offsets = [1, 0], sizes = [1, 128], strides = [1, 1]} : vector<3x128xf32> to vector<1x128xf32>
      %add3A_57 = arith.addf %slice3A_55, %slice3A_56 : vector<1x128xf32>
      %mul3A_58 = arith.constant 2.560000e+01 : f32
      %mul3A_59 = vector.broadcast %mul3A_58 : f32 to vector<1x128xf32>
      %mul3A_60 = arith.mulf %mul3A_59, %add3A_57 : vector<1x128xf32>
      %sub3A = arith.subf %add3A_54, %mul3A_60 : vector<1x128xf32>
      %slice3A_61 = vector.extract_strided_slice %get3A_30 {offsets = [2, 0], sizes = [1, 128], strides = [1, 1]} : vector<3x128xf32> to vector<1x128xf32>
      %mul3A_62 = arith.constant 3.200000e+00 : f32
      %mul3A_63 = vector.broadcast %mul3A_62 : f32 to vector<1x128xf32>
      %mul3A_64 = arith.mulf %mul3A_63, %slice3A_61 : vector<1x128xf32>
      %sub3A_65 = arith.subf %sub3A, %mul3A_64 : vector<1x128xf32>
      %swap3A_66 = arith.constant 3 : index
      %swap3A_67 = arith.constant 0 : index
      %swap3A_68 = vector.load %arg5[%swap3A_66, %swap3A_67] : memref<8x128xf32, #tpu.memory_space<vmem>>, vector<1x128xf32>
      tpu.vector_store %arg5[%swap3A_66, %swap3A_67], %sub3A_65 {strides = array<i32>} : memref<8x128xf32, #tpu.memory_space<vmem>>, vector<1x128xf32>,
      %broadcast_in_dim3A = arith.constant 0.000000e+00 : f32
      %broadcast_in_dim3A_69 = vector.broadcast %broadcast_in_dim3A : f32 to vector<4x128xf32>
      %swap3A_70 = arith.constant 4 : index
      %swap3A_71 = arith.constant 0 : index
      %swap3A_72 = vector.load %arg5[%swap3A_70, %swap3A_71] : memref<8x128xf32, #tpu.memory_space<vmem>>, vector<4x128xf32>
      tpu.vector_store %arg5[%swap3A_70, %swap3A_71], %broadcast_in_dim3A_69 {strides = array<i32>} : memref<8x128xf32, #tpu.memory_space<vmem>>, vector<4x128xf32>,
    } else {
    }
    return
  }
  func.func @transform_0(%arg0: i32) -> (i32, i32, i32, i32, i32) {
    %c0_i32 = arith.constant 0 : i32
    %c0_i32_0 = arith.constant 0 : i32
    %c0_i32_1 = arith.constant 0 : i32
    %c0_i32_2 = arith.constant 0 : i32
    %c0_i32_3 = arith.constant 0 : i32
    return %c0_i32, %arg0, %c0_i32_0, %c0_i32_1, %c0_i32_2 : i32, i32, i32, i32, i32
  }
  func.func @transform_1(%arg0: i32) -> (i32, i32) {
    %c0_i32 = arith.constant 0 : i32
    %c0_i32_0 = arith.constant 0 : i32
    %c0_i32_1 = arith.constant 0 : i32
    return %c0_i32, %c0_i32_0 : i32, i32
  }
  func.func @transform_2(%arg0: i32) -> (i32, i32) {
    %c0_i32 = arith.constant 0 : i32
    %c0_i32_0 = arith.constant 0 : i32
    %c0_i32_1 = arith.constant 0 : i32
    return %c0_i32, %c0_i32_0 : i32, i32
  }
  func.func @transform_3(%arg0: i32) -> (i32, i32) {
    %c0_i32 = arith.constant 0 : i32
    %c0_i32_0 = arith.constant 0 : i32
    %c0_i32_1 = arith.constant 0 : i32
    return %c0_i32, %c0_i32_0 : i32, i32
  }
  func.func @transform_4(%arg0: i32) -> (i32, i32) {
    %c0_i32 = arith.constant 0 : i32
    %c0_i32_0 = arith.constant 0 : i32
    %c0_i32_1 = arith.constant 0 : i32
    return %c0_i32, %c0_i32_0 : i32, i32
  }
}

module attributes {stable_mosaic.version = 14 : i64} {
  func.func @_fill_kernel(%arg0: i32, %arg1: memref<8x128xf32, #tpu.memory_space<vmem>>, %arg2: memref<1x1x8192xi32, #tpu.memory_space<vmem>>, %arg3: memref<8192x128xf32, #tpu.memory_space<vmem>>) attributes {dimension_semantics = [#tpu.dimension_semantics<arbitrary>], iteration_bounds = array<i64: 32>, scalar_prefetch = 0 : i64, scratch_operands = 0 : i64, tpu.core_type = #tpu.core_type<tc>, window_params = [{pipeline_mode = #tpu.pipeline_mode<synchronous>, transform_indices = @transform_0, window_bounds = array<i64: 8, 128>}, {transform_indices = @transform_1, window_bounds = array<i64: 1, 1, 8192>}, {transform_indices = @transform_2, window_bounds = array<i64: 8192, 128>}]} {
    %iota3A = tpu.iota {dimensions = array<i32: 1>} : vector<1x8192xi32>
    %mul3A = arith.constant 8192 : i32
    %mul3A_0 = arith.muli %arg0, %mul3A : i32
    %add3A = vector.broadcast %mul3A_0 : i32 to vector<1x8192xi32>
    %add3A_1 = arith.addi %iota3A, %add3A : vector<1x8192xi32>
    %get3A = arith.constant 0 : index
    %get3A_2 = arith.constant 0 : index
    %get3A_3 = arith.constant 0 : index
    %get3A_4 = vector.load %arg2[%get3A, %get3A_2, %get3A_3] : memref<1x1x8192xi32, #tpu.memory_space<vmem>>, vector<1x1x8192xi32>
    %get3A_5 = vector.shape_cast %get3A_4 : vector<1x1x8192xi32> to vector<1x8192xi32>
    %gt3A = arith.constant 0 : i32
    %gt3A_6 = vector.broadcast %gt3A : i32 to vector<1x8192xi32>
    %gt3A_7 = arith.cmpi sgt, %get3A_5, %gt3A_6 : vector<1x8192xi32>
    %convert_element_type3A = arith.extui %gt3A_7 : vector<1x8192xi1> to vector<1x8192xi32>
    %convert_element_type3A_8 = arith.sitofp %convert_element_type3A : vector<1x8192xi32> to vector<1x8192xf32>
    %shift_right_arithmetic3A = arith.constant 11 : i32
    %shift_right_arithmetic3A_9 = vector.broadcast %shift_right_arithmetic3A : i32 to vector<1x8192xi32>
    %shift_right_arithmetic3A_10 = arith.shrsi %add3A_1, %shift_right_arithmetic3A_9 : vector<1x8192xi32>
    %convert_element_type3A_11 = arith.sitofp %shift_right_arithmetic3A_10 : vector<1x8192xi32> to vector<1x8192xf32>
    %mul3A_12 = arith.mulf %convert_element_type3A_11, %convert_element_type3A_8 : vector<1x8192xf32>
    %shift_right_arithmetic3A_13 = arith.constant 4 : i32
    %shift_right_arithmetic3A_14 = vector.broadcast %shift_right_arithmetic3A_13 : i32 to vector<1x8192xi32>
    %shift_right_arithmetic3A_15 = arith.shrsi %add3A_1, %shift_right_arithmetic3A_14 : vector<1x8192xi32>
    %and3A = arith.constant 127 : i32
    %and3A_16 = vector.broadcast %and3A : i32 to vector<1x8192xi32>
    %and3A_17 = arith.andi %shift_right_arithmetic3A_15, %and3A_16 : vector<1x8192xi32>
    %convert_element_type3A_18 = arith.sitofp %and3A_17 : vector<1x8192xi32> to vector<1x8192xf32>
    %mul3A_19 = arith.mulf %convert_element_type3A_18, %convert_element_type3A_8 : vector<1x8192xf32>
    %and3A_20 = arith.constant 15 : i32
    %and3A_21 = vector.broadcast %and3A_20 : i32 to vector<1x8192xi32>
    %and3A_22 = arith.andi %add3A_1, %and3A_21 : vector<1x8192xi32>
    %convert_element_type3A_23 = arith.sitofp %and3A_22 : vector<1x8192xi32> to vector<1x8192xf32>
    %mul3A_24 = arith.mulf %convert_element_type3A_23, %convert_element_type3A_8 : vector<1x8192xf32>
    %broadcast_in_dim3A = arith.constant 0.000000e+00 : f32
    %broadcast_in_dim3A_25 = vector.broadcast %broadcast_in_dim3A : f32 to vector<4x8192xf32>
    %concatenate3A = tpu.concatenate %mul3A_12, %mul3A_19, %mul3A_24, %convert_element_type3A_8, %broadcast_in_dim3A_25 in 0 : vector<1x8192xf32>, vector<1x8192xf32>, vector<1x8192xf32>, vector<1x8192xf32>, vector<4x8192xf32> -> vector<8x8192xf32>
    %get3A_26 = arith.constant 0 : index
    %get3A_27 = arith.constant 0 : index
    %get3A_28 = vector.load %arg1[%get3A_26, %get3A_27] : memref<8x128xf32, #tpu.memory_space<vmem>>, vector<8x128xf32>
    %dot_general3A = arith.constant dense<0.000000e+00> : vector<8192x128xf32>
    %dot_general3A_29 = tpu.matmul %concatenate3A, %get3A_28, %dot_general3A {dimension_numbers = #tpu.dot_dimension_numbers<[0], [0], [1], [1], [0, 1, 1, 1], [], []>, transpose_lhs_hint = false} : vector<8x8192xf32>, vector<8x128xf32>, vector<8192x128xf32> -> vector<8192x128xf32>
    %swap3A = arith.constant 0 : index
    %swap3A_30 = arith.constant 0 : index
    %swap3A_31 = vector.load %arg3[%swap3A, %swap3A_30] : memref<8192x128xf32, #tpu.memory_space<vmem>>, vector<8192x128xf32>
    tpu.vector_store %arg3[%swap3A, %swap3A_30], %dot_general3A_29 {strides = array<i32>} : memref<8192x128xf32, #tpu.memory_space<vmem>>, vector<8192x128xf32>,
    return
  }
  func.func @transform_0(%arg0: i32) -> (i32, i32) {
    %c0_i32 = arith.constant 0 : i32
    %c0_i32_0 = arith.constant 0 : i32
    %c0_i32_1 = arith.constant 0 : i32
    return %c0_i32, %c0_i32_0 : i32, i32
  }
  func.func @transform_1(%arg0: i32) -> (i32, i32, i32) {
    %c0_i32 = arith.constant 0 : i32
    %c0_i32_0 = arith.constant 0 : i32
    %c0_i32_1 = arith.constant 0 : i32
    return %arg0, %c0_i32, %c0_i32_0 : i32, i32, i32
  }
  func.func @transform_2(%arg0: i32) -> (i32, i32) {
    %c0_i32 = arith.constant 0 : i32
    %c0_i32_0 = arith.constant 0 : i32
    return %arg0, %c0_i32 : i32, i32
  }
}

</mosaic_0001>

<sc_bundles>
// kernel: sparse-core-data-format-call.cloned.1.call-start
scs
called_computation_lowered:
.L_overlay_start_0:
0x0: {  	s2 =	sld [smem:$0x3FD9]  }
0x1: {  	s3 =	sld [smem:$0x3FFE];
	_ =	sdelay $0x1  }
0x2: {  	s1 =	srdreg.scid  }
0x3: {  	s0 =	sand.u32 $0x1, s1  }
0x4: {  	s18 =	sshll.u32 s0, $0xA;
	s2 =	sadd.s32 s3, s2  }
0x5: {  	s2 =	sadd.s32 s2, s18  }
0x6: {  	[smem:$0x3FC3] =	sst s2  }
0x7: {  	_ = 	snop  }
0x8: {  	s2 =	sld [smem:$0x3FD0];
	(tm) =	ssettm $0x1  }
0x9: {  	s19 =	sld [smem:$0x3FFB];
	_ =	sdelay $0x3  }
0xa: {  	_ =	strace s19  }
0xb: {  	s3 =	sld [smem:$0x3FFC];
	_ =	sdelay $0x3  }
0xc: {  	_ =	strace s3  }
0xd: {  	s3 =	sld [smem:$0x3FFD];
	_ =	sdelay $0x3  }
0xe: {  	_ =	strace s3  }
0xf: {  	_ =	strace $0x8FFFFFFF  }
0x10: {  	s20 =	sld [smem:$0x3FDB];
	_ =	sdelay $0x1  }
0x11: {  	s4 =	simm.s32 $_scs_section_size  }
0x12: {  	s5 =	simm.s32 $_size__tile_overlayer_lowered;
	s6 =	simm.s32 $_tile_overlayer_lowered  }
0x13: {  	s23 =	simm.s32 $0x1BFF;
	s22 =	sshll.u32 s6, $0x1;
	s3 =	sadd.s32 s4, s20  }
0x14: {  	s7 =	simm.s32 $0x0;
	s21 =	sshll.u32 s5, $0x1;
	s5 =	sadd.s32 s22, s3  }
0x15: {  	[timem:s7], [sflag:s23] =	dma.local [hbm:s5], s21  }
0x16: {  	_ =	swait.ge [sflag:s23], s21  }
0x17: {  	s4 =	ssub.s32 $0x0, s21;
	[sflag:s23] =	ssyncset.done $0x0  }
0x18: {  	[sflag:s23] =	ssyncadd.s32 s4;
	_ =	sdelay $0x1  }
0x19: {  	s24 =	simm.s32 $0x1B8B  }
0x1a: {  	_ =	swait.ge [sflag:s24], $0x1  }
0x1b: {  	[sflag:s24] =	ssyncset.done $0x0  }
0x1c: {  	s26 =	simm.s32 $0x1B8E;
	s25 =	sld [smem:$0x3FFE];
	[sflag:s24] =	ssyncadd.s32 $0xFFFFFFFF  }
0x1d: {  	s27 =	simm.s32 $execute0_lowered;
	[smem:$0x3FD2] =	sst s26  }
0x1e: {  	s5 =	sshll.u32 s27, $0x1;
	_ =	strace $0x80000046;
	[dreg:$0x1] =	wrdreg $0xFFFFFFFF  }
0x1f: {  	s28 =	simm.s32 $_size_execute0_lowered;
	s3 =	sadd.s32 s3, s5;
	[dreg:$0x0] =	wrdreg $0x0  }
0x20: {  	s5 =	sshll.u32 s28, $0x1;
	[dreg:$0x2] =	wrdreg s3  }
0x21: {  	[dreg:$0x3] =	wrdreg s5  }
0x22: {  	[dreg:$0x4] =	wrdreg $0xC0  }
0x23: {  	_ =	task [dreg:s7], $0x5FFFF  }
0x24: {  	[dreg:$0x1] =	wrdreg $0xFFFFFFFF  }
0x25: {  	[dreg:$0x0] =	wrdreg $0x60  }
0x26: {  	[dreg:$0x2] =	wrdreg s25  }
0x27: {  	[dreg:$0x3] =	wrdreg s2  }
0x28: {  	[dreg:$0x4] =	wrdreg $0x9  }
0x29: {  	_ =	task.clear_ibuf [dreg:s7], $0x5FFFF;
	_ =	strace $0x90000046  }
0x2a: {  	s29 =	simm.s32 $0x9;
	_ =	strace $0x80000048  }
0x2b: {  	_ =	swait.ge [sflag:s29], $0x1  }
0x2c: {  	[sflag:s29] =	ssyncadd.s32 $0xFFFFFFFF  }
0x2d: {  	_ =	strace $0x90000048  }
0x2e: {  	_ =	sfence  }
0x2f: {  	s30 =	sld [smem:$0x0];
	_ =	sdelay $0x2  }
0x30: {  	s31 =	sshll.u32 s1, $0xD;
	s1 =	sshrl.u32 s1, $0x2  }
0x31: {  	s3 =	sand.u32 $0x4000, s31;
	s1 =	sadd.s32 s1, s30  }
0x32: {  	s0 =	sor.u32 s3, s0;
	s1 =	sshll.u32 s1, $0x11  }
0x33: {  	s0 =	sor.u32 s1, s0  }
0x34: {  	s0 =	sadd.s32 $0x8F2B, s0  }
0x35: {  	[sflag:s0] =	ssyncadd.remote.s32 $0x1  }
0x36: {  	_ =	sfence.sel $0xFFFF  }
0x37: {  	[dreg:$0x0] =	wrdreg $0xFFFFFFFF;
	(pc) =	sbr.abs _section_cstart, $3  }
0x38: {  	[dreg:$0x1] =	wrdreg $0xFFFFFFFF  }
0x39: {  	_ =	task.clear_ibuf [dreg:s7], $0x2FFFF;
	_ =	strace $0x9FFFFFFF  }
0x3a: {  	(tm) =	ssettm $0x7FFFFFFF  }
0x3b: {  	_ =	shalt  }
tec
execute0_lowered:
.L_overlay_start_1:
0x0: {  	(tag) =	ssettag $0x1  }
0x1: {  	s1 =	rddreg [dreg:$0x0]  }
0x2: {  	s2 =	rddreg [dreg:$0x1]  }
0x3: {  	s0 =	rddreg [dreg:$0x2]  }
0x4: {  	s4 =	srdreg.scid;
	_ =	strace $0x80000047;
	s6 =	simm.s32 $0x2  }
0x5: {  	s13 =	simm.s32 $0x0;
	p0 =	por $0x0, $0x0;
	s11 =	simm.s32 $0x0  }
.Ltmp0:
0x6: {  	s12 =	simm.s32 $0x0;
	s8 =	simm.s32 $0x0;
	(pc) =	sbr.rel .LBB1_1-.Ltmp0, $4  }
0x7: {  	s9 =	simm.s32 $0x0;
	s3 =	sadd.s32 $0xE00, s1;
	s4 =	sshll.u32 s4, $0x4  }
0x8: {  	s1 =	stileid.u32;
	s5 =	sand.u32 $0x10, s4;
	s4 =	simm.s32 $0x1  }
0x9: {  	s7 =	simm.s32 $0x0;
	s5 =	sor.u32 s1, s5;
	[sflag:s4] =	ssyncpa.u1 $0x0  }
0xa: {  	[sflag:s6] =	ssyncpa.u1 $0x0;
	s6 =	simm.s32 $0x40000;
	s10 =	smov.u32 s5  }
.LBB1_5:
0xb: {  	s14 =	sadd.s32 $0x1, s8  }
0xc: {  	s11 =	sadd.s32 $0x80, s9;
	s15 =	smov.u32 s9;
	p2 =	sgt.s32 s14, $0xF  }
0xd: {  	s15 =	smov.u32 @p2 s11  }
0xe: {  	s17 =	smov.u32 s10;
	s11 =	sadd.s32 $0x20, s10;
	p3 =	sgt.s32 s15, $0x7F  }
0xf: {  	p1 =	slt.u32 s7, $0x2;
	s17 =	smov.u32 @p3 s11  }
0x10: {  	s7 =	sadd.s32 $0x1, s7;
	s14 =	simm.s32 @p2 $0x0;
	p2 =	sgt.s32 s17, $0x7F  }
0x11: {  	s17 =	smov.u32 @p2 s5;
	p2 =	sne.s32 s7, $0x42  }
.Ltmp1:
0x12: {  	s16 =	simm.s32 @!p1 $0x2;
	(pc) =	sbr.rel @!p2 .LBB1_6-.Ltmp1, $4  }
0x13: {  	s13 =	smov.u32 s8;
	_ =	swait.ge @!p1 [sflag:s16], $0x4000  }
0x14: {  	s12 =	smov.u32 s10;
	p0 =	por !p0, !p0;
	[sflag:s16] =	ssyncset.done @!p1 $0x0  }
0x15: {  	s8 =	smov.u32 s14;
	s15 =	simm.s32 @p3 $0x0;
	s11 =	smov.u32 s9  }
0x16: {  	[sflag:s16] =	ssyncadd.s32 @!p1 $0xFFFFC000;
	s9 =	smov.u32 s15;
	s10 =	smov.u32 s17  }
.LBB1_1:
0x17: {  	p1 =	sgt.u32 s7, $0x3F  }
0x18: {  	s14 =	sxor.u32 @!p1 $0xFFFFFFFF, s7;
	s15 =	sshll.u32 @!p1 s10, $0xF;
	s16 =	sshll.u32 @!p1 s9, $0x8  }
0x19: {  	s17 =	sshll.u32 @!p1 s8, $0x4;
	s14 =	sshll.u32 @!p1 s14, $0xE;
	s15 =	sadd.s32 @!p1 s3, s15  }
0x1a: {  	s17 =	sand.u32 @!p1 $0xF0, s17;
	s14 =	sand.u32 @!p1 $0x4000, s14;
	s15 =	sadd.s32 @!p1 s16, s15  }
0x1b: {  	s16 =	simm.s32 @!p1 $0x80;
	s15 =	sadd.s32 @!p1 s17, s15;
	s17 =	simm.s32 @!p1 $0x800  }
0x1c: {  	[tilespmem:s14], [sflag:$0x1] =	stream.strided.gather @!p1 [hbm4b:s15+s16], $0x4000, s17, s16, $0x38;
	[tilespmem:$0x10100] =	vst v63  }
0x1d: {  	p1 =	seq.s32 s7, $0x0  }
0x1e: {  	p2 =	seq.s32 @!p1 s7, $0x41  }
0x1f: {  	p1 =	por p1, p2  }
.Ltmp2:
0x20: {  	_ = 	snop;
	(pc) =	sbr.rel @p1 .LBB1_5-.Ltmp2, $1  }
0x21: {  	_ =	sdelay $0x3  }
0x22: {  	s14 =	simm.s32 $0x1  }
0x23: {  	_ =	swait.ge [sflag:s4], $0x4000;
	s14 =	simm.s32 @!p0 $0x0  }
0x24: {  	[sflag:s4] =	ssyncset.done $0x0;
	s15 =	sshll.u32 s14, $0xE  }
0x25: {  	[sflag:s4] =	ssyncadd.s32 $0xFFFFC000;
	s16 =	sor.u32 $0x40, s15  }
0x26: {  	s14 =	smul.u32 $0x10200, s14;
	v0 =	vld [tilespmem:s16+$0x30]  }
0x27: {  	v3 =	vld [tilespmem:s16+$0xFFFFFFD0]  }
0x28: {  	s14 =	sshrl.u32 s14, $0x2;
	v4 =	vld [tilespmem:s16+$0xFFFFFFE0]  }
0x29: {  	v5 =	vld [tilespmem:s16+$0xFFFFFFF0];
	s15 =	sor.u32 $0x8000, s14  }
0x2a: {  	s31 =	sand.u32 $0x1, s7;
	v1 =	vld [tilespmem:s16+$0x0];
	s17 =	sadd.s32 $0x0, s15  }
0x2b: {  	v2 =	vld [tilespmem:s16+$0x10];
	s14 =	smul.u32 $0x10200, s31;
	[tilespmem:s17+$0x3870 ss:$0x81] =	vst.msk $0xffff, v0  }
0x2c: {  	[tilespmem:s17+$0x810 ss:$0x81] =	vst.msk $0xffff, v3;
	v3 =	vld [tilespmem:s16+$0x20]  }
0x2d: {  	s14 =	sshrl.u32 s14, $0x2;
	v0 =	vld [tilespmem:s16+$0xFFFFFFC0];
	[tilespmem:s17+$0x1020 ss:$0x81] =	vst.msk $0xffff, v4;
	s16 =	sadd.s32 $0x80, s16  }
0x2e: {  	s18 =	simm.s32 $0x4;
	s19 =	simm.s32 $0x8;
	s14 =	sor.u32 $0x8000, s14;
	[tilespmem:s17+$0x1830 ss:$0x81] =	vst.msk $0xffff, v5;
	v4 =	vld [tilespmem:s16+$0x30]  }
.LBB1_3:
0x2f: {  	p1 =	sne.s32 s19, $0x1FC;
	v5 =	vld [tilespmem:s16+$0xFFFFFFD0];
	[tilespmem:s17+$0x2040 ss:$0x81] =	vst.msk $0xffff, v1  }
0x30: {  	v6 =	vld [tilespmem:s16+$0xFFFFFFE0];
	[tilespmem:s17+$0x2850 ss:$0x81] =	vst.msk $0xffff, v2  }
0x31: {  	s20 =	sshra.s32 s18, $0x2;
	s18 =	smov.u32 s19;
	v7 =	vld [tilespmem:s16+$0xFFFFFFF0];
	[tilespmem:s17+$0x3060 ss:$0x81] =	vst.msk $0xffff, v3  }
.Ltmp3:
0x32: {  	v1 =	vld [tilespmem:s16+$0x0];
	[tilespmem:s17+$0x0 ss:$0x81] =	vst.msk $0xffff, v0;
	s17 =	sadd.s32 s20, s15;
	(pc) =	sbr.rel @p1 .LBB1_3-.Ltmp3, $4  }
0x33: {  	v2 =	vld [tilespmem:s16+$0x10];
	[tilespmem:s17+$0x3870 ss:$0x81] =	vst.msk $0xffff, v4  }
0x34: {  	[tilespmem:s17+$0x810 ss:$0x81] =	vst.msk $0xffff, v5;
	v3 =	vld [tilespmem:s16+$0x20]  }
0x35: {  	v0 =	vld [tilespmem:s16+$0xFFFFFFC0];
	[tilespmem:s17+$0x1020 ss:$0x81] =	vst.msk $0xffff, v6;
	s16 =	sadd.s32 $0x80, s16  }
0x36: {  	s19 =	sadd.s32 $0x4, s19;
	v4 =	vld [tilespmem:s16+$0x30];
	[tilespmem:s17+$0x1830 ss:$0x81] =	vst.msk $0xffff, v7  }
0x37: {  	v5 =	vld [tilespmem:s16+$0xFFFFFFD0];
	[tilespmem:s17+$0x2040 ss:$0x81] =	vst.msk $0xffff, v1  }
0x38: {  	v58 =	vld [tilespmem:s16+$0xFFFFFFE0];
	[tilespmem:s17+$0x2850 ss:$0x81] =	vst.msk $0xffff, v2  }
0x39: {  	s18 =	sshra.s32 s18, $0x2;
	v59 =	vld [tilespmem:s16+$0xFFFFFFF0];
	[tilespmem:s17+$0x3060 ss:$0x81] =	vst.msk $0xffff, v3  }
0x3a: {  	v60 =	vld [tilespmem:s16+$0x0];
	s15 =	sadd.s32 s18, s15;
	[tilespmem:s17+$0x0 ss:$0x81] =	vst.msk $0xffff, v0  }
0x3b: {  	v61 =	vld [tilespmem:s16+$0x10];
	[tilespmem:s15+$0x3870 ss:$0x81] =	vst.msk $0xffff, v4  }
0x3c: {  	s13 =	sshll.u32 s13, $0x7;
	s27 =	sshll.u32 s11, $0x3;
	v62 =	vld [tilespmem:s16+$0x20];
	[tilespmem:s15+$0x810 ss:$0x81] =	vst.msk $0xffff, v5  }
0x3d: {  	v63 =	vld [tilespmem:s16+$0xFFFFFFC0];
	s12 =	sshll.u32 s12, $0x8;
	s28 =	sand.u32 $0x400, s13;
	s17 =	sand.u32 $0x400, s27;
	[tilespmem:s15+$0x1020 ss:$0x81] =	vst.msk $0xffff, v58  }
0x3e: {  	s30 =	sshrl.u32 s11, $0x3;
	s13 =	sand.u32 $0x380, s13;
	s29 =	sadd.s32 s17, s28;
	[tilespmem:s15+$0x1830 ss:$0x81] =	vst.msk $0xffff, v59  }
.Ltmp4:
0x3f: {  	s31 =	sand.u32 $0x7, s11;
	s13 =	sor.u32 s13, s29;
	[tilespmem:s15+$0x2040 ss:$0x81] =	vst.msk $0xffff, v60;
	(pc) =	sbr.rel .LBB1_5-.Ltmp4, $4  }
0x40: {  	s16 =	sand.u32 $0xF, s30;
	s12 =	sadd.s32 s2, s12;
	[tilespmem:s15+$0x2850 ss:$0x81] =	vst.msk $0xffff, v61;
	s13 =	sshrl.u32 s13, $0x3  }
0x41: {  	s11 =	sshll.u32 s31, $0x12;
	s12 =	sadd.s32 s16, s12;
	[tilespmem:s15+$0x3060 ss:$0x81] =	vst.msk $0xffff, v62;
	s13 =	sand.u32 $0xF0, s13  }
0x42: {  	s11 =	sor.u32 $0x80, s11;
	[tilespmem:s15+$0x0 ss:$0x81] =	vst.msk $0xffff, v63;
	s12 =	sadd.s32 s13, s12  }
0x43: {  	[hbm4b:s12+s11] =	stream.strided.scatter [tilespmem:s14], [sflag:$0x2], $0x4000, s6, s11, $0x20;
	[tilespmem:$0x10100] =	vst v63  }
.LBB1_6:
0x44: {  	_ =	sfence.sel $0x180000  }
0x45: {  	s2 =	simm.s32 $0x1;
	[bflag:$0x0] =	sbarrier.arrive $0xFFFF  }
0x46: {  	s31 =	simm.s32 $0x2;
	[sflag:s2] =	ssyncpa.u1 $0x1  }
0x47: {  	[sflag:s31] =	ssyncpa.u1 $0x1  }
0x48: {  	p0 =	sne.s32 s1, $0x0;
	_ =	strace $0x90000047  }
0x49: {  	s0 =	sadd.s32 @!p0 $0x100000, s0;
	[bflag:$0x2] =	sbarrier.arrive $0xFFFF  }
0x4a: {  	[sflag:s0] =	ssyncadd.tile.s32 @!p0 $0x1;
	_ =	shalt  }
.Lfunc_end1:
_tile_overlayer_lowered:
.L_overlay_start_2:
0x4b: {  	(tag) =	ssettag $0x2  }
0x4c: {  	s0 =	rddreg [dreg:$0x0];
	s2 =	stileid.u32  }
0x4d: {  	s1 =	rddreg [dreg:$0x1];
	p0 =	sne.s32 s2, $0x0  }
0x4e: {  	s3 =	rddreg [dreg:$0x2];
	[bflag:$0x3] =	sbarrier.arrive $0xFFFF;
	s2 =	simm.s32 @!p0 $0x1C01  }
0x4f: {  	[timem:s3], [sflag:s2] =	dma.local @!p0 [hbm:s0], s1  }
0x50: {  	s0 =	simm.s32 @!p0 $0x1  }
0x51: {  	_ =	swait.ge @!p0 [sflag:s0], s1  }
0x52: {  	s1 =	ssub.s32 @!p0 $0x0, s1;
	[sflag:s0] =	ssyncset.done @!p0 $0x0  }
0x53: {  	[sflag:s0] =	ssyncadd.s32 @!p0 s1  }
0x54: {  	[bflag:$0x3] =	sbarrier.arrive $0xFFFF  }
0x55: {  	_ =	shalt  }

</sc_bundles>
